<compile_context>
chip_gen: v7x
topology: tpu7x:2x2x1
jax: 0.10.2.dev20260603
libtpu: 0.0.44.dev20260713+nightly
codegen_flags: <defaults>
</compile_context>

<pallas_src>
import functools

import jax
import jax.numpy as jnp
from jax import lax
from jax.experimental import pallas as pl
from jax.experimental.pallas import tpu as pltpu
from jax.experimental.pallas import tpu_sc as plsc

_N = 100000
_E = 1600000
_NS = 16
_CHUNK = 6400
_NCHUNK = _E // _CHUNK
_SCHED = 16
_GROUPS = _CHUNK // 16
_U = 8


def _make_kernel():
    mesh = plsc.VectorSubcoreMesh(core_axis_name="c", subcore_axis_name="s")

    @functools.partial(
        pl.kernel,
        out_type=jax.ShapeDtypeStruct((32, 16), jnp.float32),
        mesh=mesh,
        compiler_params=pltpu.CompilerParams(needs_layout_passes=False),
        scratch_types=[
            pltpu.VMEM((_N,), jnp.float32),
            pltpu.VMEM((2, 2, _CHUNK), jnp.int32),
            pltpu.VMEM((16,), jnp.float32),
            pltpu.SemaphoreType.DMA,
            pltpu.SemaphoreType.DMA((2,)),
        ],
    )
    def k(node_x, node_y, h_edges, v_edges, out,
          table_v, idx_v, acc_v, tsem, sems):
        cid = lax.axis_index("c")
        sid = lax.axis_index("s")
        c_lo = (_NCHUNK * sid) // _NS
        c_hi = (_NCHUNK * (sid + 1)) // _NS

        def phase(nodes_hbm, edges_hbm):
            def src(g):
                c = jnp.minimum(c_lo + g, c_hi - 1)
                off = pl.multiple_of(c * _CHUNK, 128)
                return edges_hbm.at[:, pl.ds(off, _CHUNK)]

            def start(b, g):
                pltpu.async_copy(src(g), idx_v.at[b], sems.at[b])

            def wait(b):
                pltpu.make_async_copy(src(0), idx_v.at[b], sems.at[b]).wait()

            def compute(b, g, accs):
                @plsc.parallel_loop(0, _GROUPS, unroll=_U,
                                    carry=(jnp.zeros((16,), jnp.float32),
                                           jnp.zeros((16,), jnp.float32)))
                def csum(j, cc):
                    c0, c1 = cc
                    s = pl.multiple_of(j * 16, 16)
                    a = plsc.load_gather(table_v, [idx_v[b, 0, pl.ds(s, 16)]])
                    bb = plsc.load_gather(table_v, [idx_v[b, 1, pl.ds(s, 16)]])
                    return (c1, c0 + jnp.abs(a - bb))

                live = c_lo + g < c_hi
                a0, a1 = accs
                s0, s1 = csum
                return (a0 + jnp.where(live, s0, 0.0),
                        a1 + jnp.where(live, s1, 0.0))

            tcp = pltpu.async_copy(nodes_hbm, table_v, tsem)
            start(0, 0)
            tcp.wait()

            def body(g, accs):
                b = lax.rem(g, 2)

                @pl.when(g + 1 < _SCHED)
                def _():
                    start(1 - b, g + 1)

                wait(b)
                return compute(b, g, accs)

            z = jnp.zeros((16,), jnp.float32)
            accs = lax.fori_loop(0, _SCHED, body, (z, z))
            acc_v[...] = accs[0] + accs[1]

        @pl.when(cid == 0)
        def _():
            phase(node_x, h_edges)

        @pl.when(cid == 1)
        def _():
            phase(node_y, v_edges)

        pltpu.sync_copy(acc_v, out.at[sid * 2 + cid])

    return k


_sc_kernel = _make_kernel()


def kernel(node_x, node_y, h_edges, v_edges):
    partials = _sc_kernel(node_x, node_y, h_edges, v_edges)
    return jnp.sum(partials)

# --- scband reference (transcript-rebuilt; emitter-appended) ---
"""Pipeline reference for scband-grap-optim-model-10385230922541 (READ-ONLY COPY).

The authoritative reference and input builder live on the scoring server;
editing this copy changes nothing except your own understanding.
"""

import jax, jax.numpy as jnp
import numpy as np

N = 100000
E_H = 1600000
E_V = 1600000

def setup_inputs(seed: int = 0) -> dict:
    key = jax.random.key(seed)
    k1, k2, k3, k4 = jax.random.split(key, 4)
    # node positions (learned parameters in the original module, one scalar per node per axis)
    node_x = jax.random.normal(k1, (N,), dtype=jnp.float32) * 100.0
    node_y = jax.random.normal(k2, (N,), dtype=jnp.float32) * 100.0
    # edge lists: row 0 = node1 ids, row 1 = node2 ids
    h_edges = jax.random.randint(k3, (2, E_H), 0, N, dtype=jnp.int32)
    v_edges = jax.random.randint(k4, (2, E_V), 0, N, dtype=jnp.int32)
    return {"node_x": node_x, "node_y": node_y, "h_edges": h_edges, "v_edges": v_edges}

def reference(node_x, node_y, h_edges, v_edges):
    # horizontal_error: sum over horizontal edges of |x[node1] - x[node2]|
    x1 = jnp.take(node_x, h_edges[0], axis=0)
    x2 = jnp.take(node_x, h_edges[1], axis=0)
    horizontal_error = jnp.sum(jnp.abs(x1 - x2))
    # vertical_error: sum over vertical edges of |y[node1] - y[node2]|
    y1 = jnp.take(node_y, v_edges[0], axis=0)
    y2 = jnp.take(node_y, v_edges[1], axis=0)
    vertical_error = jnp.sum(jnp.abs(y1 - y2))
    return horizontal_error + vertical_error

if __name__ == "__main__":
    import jax
    _d = setup_inputs()
    print(jax.jit(kernel)(*tuple(_d.values())))

</pallas_src>

<mosaic_0001>
#map = affine_map<(d0, d1) -> (0)>
#map1 = affine_map<(d0, d1) -> (0, 0)>
module attributes {stable_mosaic.version = 14 : i64} {
  func.func @k(%arg0: i32, %arg1: i32, %arg2: memref<100000xf32, #tpu.memory_space<hbm>>, %arg3: memref<100000xf32, #tpu.memory_space<hbm>>, %arg4: memref<2x1600000xi32, #tpu.memory_space<hbm>>, %arg5: memref<2x1600000xi32, #tpu.memory_space<hbm>>, %arg6: memref<32x16xf32, #tpu.memory_space<hbm>>, %arg7: memref<100000xf32, #tpu.memory_space<vmem>>, %arg8: memref<2x2x6400xi32, #tpu.memory_space<vmem>>, %arg9: memref<16xf32, #tpu.memory_space<vmem>>, %arg10: memref<!tpu.dma_semaphore, #tpu.memory_space<semaphore_mem>>, %arg11: memref<2x!tpu.dma_semaphore, #tpu.memory_space<semaphore_mem>>) attributes {dimension_semantics = [#tpu.dimension_semantics<core_parallel>, #tpu.dimension_semantics<subcore_parallel>], iteration_bounds = array<i64: 2, 16>, scalar_prefetch = 0 : i64, scratch_operands = 5 : i64, tpu.core_type = #tpu.core_type<sc_vector_subcore>, window_params = [{transform_indices = #map}, {transform_indices = #map}, {transform_indices = #map1}, {transform_indices = #map1}, {transform_indices = #map1}]} {
    %mul3A = arith.constant 250 : i32
    %mul3A_0 = arith.muli %mul3A, %arg1 : i32
    %jit3A = arith.constant 16 : i32
    %div3A = arith.divsi %mul3A_0, %jit3A : i32
    %sign3A = arith.constant 0 : i32
    %sign3A_1 = arith.cmpi sgt, %mul3A_0, %sign3A : i32
    %sign3A_2 = arith.extui %sign3A_1 : i1 to i32
    %sign3A_3 = arith.constant 0 : i32
    %sign3A_4 = arith.cmpi slt, %mul3A_0, %sign3A_3 : i32
    %sign3A_5 = arith.extui %sign3A_4 : i1 to i32
    %sign3A_6 = arith.subi %sign3A_2, %sign3A_5 : i32
    %sign3A_7 = arith.constant 0 : i32
    %sign3A_8 = arith.cmpi sgt, %jit3A, %sign3A_7 : i32
    %sign3A_9 = arith.extui %sign3A_8 : i1 to i32
    %sign3A_10 = arith.constant 0 : i32
    %sign3A_11 = arith.cmpi slt, %jit3A, %sign3A_10 : i32
    %sign3A_12 = arith.extui %sign3A_11 : i1 to i32
    %sign3A_13 = arith.subi %sign3A_9, %sign3A_12 : i32
    %ne3A = arith.cmpi ne, %sign3A_6, %sign3A_13 : i32
    %rem3A = arith.remsi %mul3A_0, %jit3A : i32
    %ne3A_14 = arith.constant 0 : i32
    %ne3A_15 = arith.cmpi ne, %rem3A, %ne3A_14 : i32
    %and3A = arith.andi %ne3A, %ne3A_15 : i1
    %sub3A = arith.constant 1 : i32
    %sub3A_16 = arith.subi %div3A, %sub3A : i32
    %select_n3A = arith.select %and3A, %sub3A_16, %div3A : i32
    %add3A = arith.constant 1 : i32
    %add3A_17 = arith.addi %arg1, %add3A : i32
    %mul3A_18 = arith.constant 250 : i32
    %mul3A_19 = arith.muli %mul3A_18, %add3A_17 : i32
    %jit3A_20 = arith.constant 16 : i32
    %div3A_21 = arith.divsi %mul3A_19, %jit3A_20 : i32
    %sign3A_22 = arith.constant 0 : i32
    %sign3A_23 = arith.cmpi sgt, %mul3A_19, %sign3A_22 : i32
    %sign3A_24 = arith.extui %sign3A_23 : i1 to i32
    %sign3A_25 = arith.constant 0 : i32
    %sign3A_26 = arith.cmpi slt, %mul3A_19, %sign3A_25 : i32
    %sign3A_27 = arith.extui %sign3A_26 : i1 to i32
    %sign3A_28 = arith.subi %sign3A_24, %sign3A_27 : i32
    %sign3A_29 = arith.constant 0 : i32
    %sign3A_30 = arith.cmpi sgt, %jit3A_20, %sign3A_29 : i32
    %sign3A_31 = arith.extui %sign3A_30 : i1 to i32
    %sign3A_32 = arith.constant 0 : i32
    %sign3A_33 = arith.cmpi slt, %jit3A_20, %sign3A_32 : i32
    %sign3A_34 = arith.extui %sign3A_33 : i1 to i32
    %sign3A_35 = arith.subi %sign3A_31, %sign3A_34 : i32
    %ne3A_36 = arith.cmpi ne, %sign3A_28, %sign3A_35 : i32
    %rem3A_37 = arith.remsi %mul3A_19, %jit3A_20 : i32
    %ne3A_38 = arith.constant 0 : i32
    %ne3A_39 = arith.cmpi ne, %rem3A_37, %ne3A_38 : i32
    %and3A_40 = arith.andi %ne3A_36, %ne3A_39 : i1
    %sub3A_41 = arith.constant 1 : i32
    %sub3A_42 = arith.subi %div3A_21, %sub3A_41 : i32
    %select_n3A_43 = arith.select %and3A_40, %sub3A_42, %div3A_21 : i32
    %eq3A = arith.constant 0 : i32
    %eq3A_44 = arith.cmpi eq, %arg0, %eq3A : i32
    %convert_element_type3A = arith.extui %eq3A_44 : i1 to i32
    %cond3A = arith.constant 0 : i32
    %cond3A_45 = arith.cmpi ne, %convert_element_type3A, %cond3A : i32
    scf.if %cond3A_45 {
      tpu.enqueue_dma source(%arg2 : memref<100000xf32, #tpu.memory_space<hbm>>) target(%arg7 : memref<100000xf32, #tpu.memory_space<vmem>>) target_semaphore(%arg10 : memref<!tpu.dma_semaphore, #tpu.memory_space<semaphore_mem>>)
      %add3A_54 = arith.constant 0 : i32
      %add3A_55 = arith.addi %select_n3A, %add3A_54 : i32
      %sub3A_56 = arith.constant 1 : i32
      %sub3A_57 = arith.subi %select_n3A_43, %sub3A_56 : i32
      %min3A = arith.minsi %add3A_55, %sub3A_57 : i32
      %mul3A_58 = arith.constant 6400 : i32
      %mul3A_59 = arith.muli %min3A, %mul3A_58 : i32
      %multiple_of3A = tpu.assume_multiple %mul3A_59, 128 : i32
      %dma_start3A = arith.constant 0 : i32
      %dma_start3A_60 = arith.constant 0 : i32
      %dma_start3A_61 = arith.constant 0 : i32
      %dma_start3A_62 = arith.constant 0 : i32
      %dma_start3A_63 = tpu.memref_slice %arg8[%dma_start3A, %dma_start3A_61, %dma_start3A_62] : memref<2x2x6400xi32, #tpu.memory_space<vmem>> -> memref<1x2x6400xi32, #tpu.memory_space<vmem>>
      %dma_start3A_64 = tpu.memref_squeeze %dma_start3A_63 : memref<1x2x6400xi32, #tpu.memory_space<vmem>> -> memref<2x6400xi32, #tpu.memory_space<vmem>>
      %dma_start3A_65 = arith.constant 0 : i32
      %dma_start3A_66 = tpu.memref_slice %arg4[%dma_start3A_65, %multiple_of3A] : memref<2x1600000xi32, #tpu.memory_space<hbm>> -> memref<2x6400xi32, #tpu.memory_space<hbm>>
      %dma_start3A_67 = tpu.memref_slice %arg11[%dma_start3A_60] : memref<2x!tpu.dma_semaphore, #tpu.memory_space<semaphore_mem>> -> memref<1x!tpu.dma_semaphore, #tpu.memory_space<semaphore_mem>>
      %dma_start3A_68 = tpu.memref_squeeze %dma_start3A_67 : memref<1x!tpu.dma_semaphore, #tpu.memory_space<semaphore_mem>> -> memref<!tpu.dma_semaphore, #tpu.memory_space<semaphore_mem>>
      %dma_start3A_69 = arith.constant 0 : i32
      %dma_start3A_70 = arith.constant 0 : i32
      %dma_start3A_71 = tpu.memref_slice %arg8[%dma_start3A, %dma_start3A_69, %dma_start3A_70] : memref<2x2x6400xi32, #tpu.memory_space<vmem>> -> memref<1x2x6400xi32, #tpu.memory_space<vmem>>
      %dma_start3A_72 = tpu.memref_squeeze %dma_start3A_71 : memref<1x2x6400xi32, #tpu.memory_space<vmem>> -> memref<2x6400xi32, #tpu.memory_space<vmem>>
      %dma_start3A_73 = arith.constant 0 : i32
      %dma_start3A_74 = tpu.memref_slice %arg4[%dma_start3A_73, %multiple_of3A] : memref<2x1600000xi32, #tpu.memory_space<hbm>> -> memref<2x6400xi32, #tpu.memory_space<hbm>>
      tpu.enqueue_dma source(%dma_start3A_74 : memref<2x6400xi32, #tpu.memory_space<hbm>>) target(%dma_start3A_72 : memref<2x6400xi32, #tpu.memory_space<vmem>>) target_semaphore(%dma_start3A_68 : memref<!tpu.dma_semaphore, #tpu.memory_space<semaphore_mem>>)
      tpu.wait_dma2 semaphore(%arg10 : memref<!tpu.dma_semaphore, #tpu.memory_space<semaphore_mem>>) src(%arg2 : memref<100000xf32, #tpu.memory_space<hbm>>) dst(%arg7 : memref<100000xf32, #tpu.memory_space<vmem>>)
      %broadcast_in_dim3A = arith.constant 0.000000e+00 : f32
      %broadcast_in_dim3A_75 = vector.broadcast %broadcast_in_dim3A : f32 to vector<16xf32>
      %scan3A = arith.constant 0 : i32
      %scan3A_76 = arith.constant 16 : i32
      %scan3A_77 = arith.addi %scan3A, %scan3A_76 : i32
      %scan3A_78 = arith.constant 1 : i32
      %scan3A_79:2 = scf.for %scan3A_83 = %scan3A to %scan3A_77 step %scan3A_78 iter_args(%scan3A_84 = %broadcast_in_dim3A_75, %scan3A_85 = %broadcast_in_dim3A_75) -> (vector<16xf32>, vector<16xf32>)  : i32 {
        %rem3A_86 = arith.constant 2 : i32
        %rem3A_87 = arith.remsi %scan3A_83, %rem3A_86 : i32
        %add3A_88 = arith.constant 1 : i32
        %add3A_89 = arith.addi %scan3A_83, %add3A_88 : i32
        %lt3A = arith.constant 16 : i32
        %lt3A_90 = arith.cmpi slt, %add3A_89, %lt3A : i32
        %convert_element_type3A_91 = arith.extui %lt3A_90 : i1 to i32
        %cond3A_92 = arith.constant 0 : i32
        %cond3A_93 = arith.cmpi ne, %convert_element_type3A_91, %cond3A_92 : i32
        scf.if %cond3A_93 {
          %sub3A_132 = arith.constant 1 : i32
          %sub3A_133 = arith.subi %sub3A_132, %rem3A_87 : i32
          %add3A_134 = arith.constant 1 : i32
          %add3A_135 = arith.addi %scan3A_83, %add3A_134 : i32
          %add3A_136 = arith.addi %select_n3A, %add3A_135 : i32
          %sub3A_137 = arith.constant 1 : i32
          %sub3A_138 = arith.subi %select_n3A_43, %sub3A_137 : i32
          %min3A_139 = arith.minsi %add3A_136, %sub3A_138 : i32
          %mul3A_140 = arith.constant 6400 : i32
          %mul3A_141 = arith.muli %min3A_139, %mul3A_140 : i32
          %multiple_of3A_142 = tpu.assume_multiple %mul3A_141, 128 : i32
          %dma_start3A_143 = arith.constant 0 : i32
          %dma_start3A_144 = arith.constant 0 : i32
          %dma_start3A_145 = tpu.memref_slice %arg8[%sub3A_133, %dma_start3A_143, %dma_start3A_144] : memref<2x2x6400xi32, #tpu.memory_space<vmem>> -> memref<1x2x6400xi32, #tpu.memory_space<vmem>>
          %dma_start3A_146 = tpu.memref_squeeze %dma_start3A_145 : memref<1x2x6400xi32, #tpu.memory_space<vmem>> -> memref<2x6400xi32, #tpu.memory_space<vmem>>
          %dma_start3A_147 = arith.constant 0 : i32
          %dma_start3A_148 = tpu.memref_slice %arg4[%dma_start3A_147, %multiple_of3A_142] : memref<2x1600000xi32, #tpu.memory_space<hbm>> -> memref<2x6400xi32, #tpu.memory_space<hbm>>
          %dma_start3A_149 = tpu.memref_slice %arg11[%sub3A_133] : memref<2x!tpu.dma_semaphore, #tpu.memory_space<semaphore_mem>> -> memref<1x!tpu.dma_semaphore, #tpu.memory_space<semaphore_mem>>
          %dma_start3A_150 = tpu.memref_squeeze %dma_start3A_149 : memref<1x!tpu.dma_semaphore, #tpu.memory_space<semaphore_mem>> -> memref<!tpu.dma_semaphore, #tpu.memory_space<semaphore_mem>>
          %dma_start3A_151 = arith.constant 0 : i32
          %dma_start3A_152 = arith.constant 0 : i32
          %dma_start3A_153 = tpu.memref_slice %arg8[%sub3A_133, %dma_start3A_151, %dma_start3A_152] : memref<2x2x6400xi32, #tpu.memory_space<vmem>> -> memref<1x2x6400xi32, #tpu.memory_space<vmem>>
          %dma_start3A_154 = tpu.memref_squeeze %dma_start3A_153 : memref<1x2x6400xi32, #tpu.memory_space<vmem>> -> memref<2x6400xi32, #tpu.memory_space<vmem>>
          %dma_start3A_155 = arith.constant 0 : i32
          %dma_start3A_156 = tpu.memref_slice %arg4[%dma_start3A_155, %multiple_of3A_142] : memref<2x1600000xi32, #tpu.memory_space<hbm>> -> memref<2x6400xi32, #tpu.memory_space<hbm>>
          tpu.enqueue_dma source(%dma_start3A_156 : memref<2x6400xi32, #tpu.memory_space<hbm>>) target(%dma_start3A_154 : memref<2x6400xi32, #tpu.memory_space<vmem>>) target_semaphore(%dma_start3A_150 : memref<!tpu.dma_semaphore, #tpu.memory_space<semaphore_mem>>)
        } else {
        }
        %add3A_94 = arith.constant 0 : i32
        %add3A_95 = arith.addi %select_n3A, %add3A_94 : i32
        %sub3A_96 = arith.constant 1 : i32
        %sub3A_97 = arith.subi %select_n3A_43, %sub3A_96 : i32
        %min3A_98 = arith.minsi %add3A_95, %sub3A_97 : i32
        %mul3A_99 = arith.constant 6400 : i32
        %mul3A_100 = arith.muli %min3A_98, %mul3A_99 : i32
        %multiple_of3A_101 = tpu.assume_multiple %mul3A_100, 128 : i32
        %dma_wait3A = arith.constant 0 : i32
        %dma_wait3A_102 = arith.constant 0 : i32
        %dma_wait3A_103 = tpu.memref_slice %arg8[%rem3A_87, %dma_wait3A, %dma_wait3A_102] : memref<2x2x6400xi32, #tpu.memory_space<vmem>> -> memref<1x2x6400xi32, #tpu.memory_space<vmem>>
        %dma_wait3A_104 = tpu.memref_squeeze %dma_wait3A_103 : memref<1x2x6400xi32, #tpu.memory_space<vmem>> -> memref<2x6400xi32, #tpu.memory_space<vmem>>
        %dma_wait3A_105 = arith.constant 0 : i32
        %dma_wait3A_106 = tpu.memref_slice %arg4[%dma_wait3A_105, %multiple_of3A_101] : memref<2x1600000xi32, #tpu.memory_space<hbm>> -> memref<2x6400xi32, #tpu.memory_space<hbm>>
        %dma_wait3A_107 = tpu.memref_slice %arg11[%rem3A_87] : memref<2x!tpu.dma_semaphore, #tpu.memory_space<semaphore_mem>> -> memref<1x!tpu.dma_semaphore, #tpu.memory_space<semaphore_mem>>
        %dma_wait3A_108 = tpu.memref_squeeze %dma_wait3A_107 : memref<1x!tpu.dma_semaphore, #tpu.memory_space<semaphore_mem>> -> memref<!tpu.dma_semaphore, #tpu.memory_space<semaphore_mem>>
        %dma_wait3A_109 = arith.constant 0 : i32
        %dma_wait3A_110 = arith.constant 0 : i32
        %dma_wait3A_111 = tpu.memref_slice %arg8[%rem3A_87, %dma_wait3A_109, %dma_wait3A_110] : memref<2x2x6400xi32, #tpu.memory_space<vmem>> -> memref<1x2x6400xi32, #tpu.memory_space<vmem>>
        %dma_wait3A_112 = tpu.memref_squeeze %dma_wait3A_111 : memref<1x2x6400xi32, #tpu.memory_space<vmem>> -> memref<2x6400xi32, #tpu.memory_space<vmem>>
        %dma_wait3A_113 = arith.constant 0 : i32
        %dma_wait3A_114 = tpu.memref_slice %arg4[%dma_wait3A_113, %multiple_of3A_101] : memref<2x1600000xi32, #tpu.memory_space<hbm>> -> memref<2x6400xi32, #tpu.memory_space<hbm>>
        tpu.wait_dma2 semaphore(%dma_wait3A_108 : memref<!tpu.dma_semaphore, #tpu.memory_space<semaphore_mem>>) src(%dma_wait3A_114 : memref<2x6400xi32, #tpu.memory_space<hbm>>) dst(%dma_wait3A_112 : memref<2x6400xi32, #tpu.memory_space<vmem>>)
        %broadcast_in_dim3A_115 = arith.constant 0.000000e+00 : f32
        %broadcast_in_dim3A_116 = vector.broadcast %broadcast_in_dim3A_115 : f32 to vector<16xf32>
        %broadcast_in_dim3A_117 = arith.constant 0.000000e+00 : f32
        %broadcast_in_dim3A_118 = vector.broadcast %broadcast_in_dim3A_117 : f32 to vector<16xf32>
        %parallel_loop3A = arith.constant 0 : i32
        %parallel_loop3A_119 = arith.constant 400 : i32
        %parallel_loop3A_120 = arith.constant 1 : i32
        %parallel_loop3A_121:2 = scf.for %parallel_loop3A_132 = %parallel_loop3A to %parallel_loop3A_119 step %parallel_loop3A_120 iter_args(%parallel_loop3A_133 = %broadcast_in_dim3A_116, %parallel_loop3A_134 = %broadcast_in_dim3A_118) -> (vector<16xf32>, vector<16xf32>)  : i32 {
          %parallel_loop3A_135 = arith.constant 16 : i32
          %parallel_loop3A_136 = arith.muli %parallel_loop3A_132, %parallel_loop3A_135 : i32
          %parallel_loop3A_137 = tpu.assume_multiple %parallel_loop3A_136, 16 : i32
          %parallel_loop3A_138 = arith.constant 0 : i32
          %parallel_loop3A_139 = arith.index_cast %rem3A_87 : i32 to index
          %parallel_loop3A_140 = arith.index_cast %parallel_loop3A_138 : i32 to index
          %parallel_loop3A_141 = arith.index_cast %parallel_loop3A_137 : i32 to index
          %parallel_loop3A_142 = tpu.vector_load %arg8[%parallel_loop3A_139, %parallel_loop3A_140, %parallel_loop3A_141] {strides = array<i32>} : memref<2x2x6400xi32, #tpu.memory_space<vmem>>, vector<16xi32>,
          %parallel_loop3A_143 = tpu.vector_load_idx %arg7[%parallel_loop3A_142] : memref<100000xf32, #tpu.memory_space<vmem>>[vector<16xi32>], vector<16xf32>,
          %parallel_loop3A_144 = arith.constant 1 : i32
          %parallel_loop3A_145 = arith.index_cast %rem3A_87 : i32 to index
          %parallel_loop3A_146 = arith.index_cast %parallel_loop3A_144 : i32 to index
          %parallel_loop3A_147 = arith.index_cast %parallel_loop3A_137 : i32 to index
          %parallel_loop3A_148 = tpu.vector_load %arg8[%parallel_loop3A_145, %parallel_loop3A_146, %parallel_loop3A_147] {strides = array<i32>} : memref<2x2x6400xi32, #tpu.memory_space<vmem>>, vector<16xi32>,
          %parallel_loop3A_149 = tpu.vector_load_idx %arg7[%parallel_loop3A_148] : memref<100000xf32, #tpu.memory_space<vmem>>[vector<16xi32>], vector<16xf32>,
          %parallel_loop3A_150 = arith.subf %parallel_loop3A_143, %parallel_loop3A_149 : vector<16xf32>
          %parallel_loop3A_151 = math.absf %parallel_loop3A_150 : vector<16xf32>
          %parallel_loop3A_152 = arith.addf %parallel_loop3A_133, %parallel_loop3A_151 : vector<16xf32>
          scf.yield %parallel_loop3A_134, %parallel_loop3A_152 : vector<16xf32>, vector<16xf32>
        } {sc.loop_unroll_factor = 8 : i64, sc.parallel_access}
        %add3A_122 = arith.addi %select_n3A, %scan3A_83 : i32
        %lt3A_123 = arith.cmpi slt, %add3A_122, %select_n3A_43 : i32
        %jit3A_124 = arith.constant 0.000000e+00 : f32
        %broadcast_in_dim3A_125 = vector.broadcast %jit3A_124 : f32 to vector<16xf32>
        %select_n3A_126 = arith.select %lt3A_123, %parallel_loop3A_121#0, %broadcast_in_dim3A_125 : vector<16xf32>
        %add3A_127 = arith.addf %scan3A_84, %select_n3A_126 : vector<16xf32>
        %jit3A_128 = arith.constant 0.000000e+00 : f32
        %broadcast_in_dim3A_129 = vector.broadcast %jit3A_128 : f32 to vector<16xf32>
        %select_n3A_130 = arith.select %lt3A_123, %parallel_loop3A_121#1, %broadcast_in_dim3A_129 : vector<16xf32>
        %add3A_131 = arith.addf %scan3A_85, %select_n3A_130 : vector<16xf32>
        scf.yield %add3A_127, %add3A_131 : vector<16xf32>, vector<16xf32>
      }
      %scan3A_80 = arith.constant 16 : i32
      %add3A_81 = arith.addf %scan3A_79#0, %scan3A_79#1 : vector<16xf32>
      %swap3A = arith.constant 0 : index
      %swap3A_82 = tpu.vector_load %arg9[%swap3A] {strides = array<i32>} : memref<16xf32, #tpu.memory_space<vmem>>, vector<16xf32>,
      tpu.vector_store %arg9[%swap3A], %add3A_81 {strides = array<i32>} : memref<16xf32, #tpu.memory_space<vmem>>, vector<16xf32>,
    } else {
    }
    %eq3A_46 = arith.constant 1 : i32
    %eq3A_47 = arith.cmpi eq, %arg0, %eq3A_46 : i32
    %convert_element_type3A_48 = arith.extui %eq3A_47 : i1 to i32
    %cond3A_49 = arith.constant 0 : i32
    %cond3A_50 = arith.cmpi ne, %convert_element_type3A_48, %cond3A_49 : i32
    scf.if %cond3A_50 {
      tpu.enqueue_dma source(%arg3 : memref<100000xf32, #tpu.memory_space<hbm>>) target(%arg7 : memref<100000xf32, #tpu.memory_space<vmem>>) target_semaphore(%arg10 : memref<!tpu.dma_semaphore, #tpu.memory_space<semaphore_mem>>)
      %add3A_54 = arith.constant 0 : i32
      %add3A_55 = arith.addi %select_n3A, %add3A_54 : i32
      %sub3A_56 = arith.constant 1 : i32
      %sub3A_57 = arith.subi %select_n3A_43, %sub3A_56 : i32
      %min3A = arith.minsi %add3A_55, %sub3A_57 : i32
      %mul3A_58 = arith.constant 6400 : i32
      %mul3A_59 = arith.muli %min3A, %mul3A_58 : i32
      %multiple_of3A = tpu.assume_multiple %mul3A_59, 128 : i32
      %dma_start3A = arith.constant 0 : i32
      %dma_start3A_60 = arith.constant 0 : i32
      %dma_start3A_61 = arith.constant 0 : i32
      %dma_start3A_62 = arith.constant 0 : i32
      %dma_start3A_63 = tpu.memref_slice %arg8[%dma_start3A, %dma_start3A_61, %dma_start3A_62] : memref<2x2x6400xi32, #tpu.memory_space<vmem>> -> memref<1x2x6400xi32, #tpu.memory_space<vmem>>
      %dma_start3A_64 = tpu.memref_squeeze %dma_start3A_63 : memref<1x2x6400xi32, #tpu.memory_space<vmem>> -> memref<2x6400xi32, #tpu.memory_space<vmem>>
      %dma_start3A_65 = arith.constant 0 : i32
      %dma_start3A_66 = tpu.memref_slice %arg5[%dma_start3A_65, %multiple_of3A] : memref<2x1600000xi32, #tpu.memory_space<hbm>> -> memref<2x6400xi32, #tpu.memory_space<hbm>>
      %dma_start3A_67 = tpu.memref_slice %arg11[%dma_start3A_60] : memref<2x!tpu.dma_semaphore, #tpu.memory_space<semaphore_mem>> -> memref<1x!tpu.dma_semaphore, #tpu.memory_space<semaphore_mem>>
      %dma_start3A_68 = tpu.memref_squeeze %dma_start3A_67 : memref<1x!tpu.dma_semaphore, #tpu.memory_space<semaphore_mem>> -> memref<!tpu.dma_semaphore, #tpu.memory_space<semaphore_mem>>
      %dma_start3A_69 = arith.constant 0 : i32
      %dma_start3A_70 = arith.constant 0 : i32
      %dma_start3A_71 = tpu.memref_slice %arg8[%dma_start3A, %dma_start3A_69, %dma_start3A_70] : memref<2x2x6400xi32, #tpu.memory_space<vmem>> -> memref<1x2x6400xi32, #tpu.memory_space<vmem>>
      %dma_start3A_72 = tpu.memref_squeeze %dma_start3A_71 : memref<1x2x6400xi32, #tpu.memory_space<vmem>> -> memref<2x6400xi32, #tpu.memory_space<vmem>>
      %dma_start3A_73 = arith.constant 0 : i32
      %dma_start3A_74 = tpu.memref_slice %arg5[%dma_start3A_73, %multiple_of3A] : memref<2x1600000xi32, #tpu.memory_space<hbm>> -> memref<2x6400xi32, #tpu.memory_space<hbm>>
      tpu.enqueue_dma source(%dma_start3A_74 : memref<2x6400xi32, #tpu.memory_space<hbm>>) target(%dma_start3A_72 : memref<2x6400xi32, #tpu.memory_space<vmem>>) target_semaphore(%dma_start3A_68 : memref<!tpu.dma_semaphore, #tpu.memory_space<semaphore_mem>>)
      tpu.wait_dma2 semaphore(%arg10 : memref<!tpu.dma_semaphore, #tpu.memory_space<semaphore_mem>>) src(%arg3 : memref<100000xf32, #tpu.memory_space<hbm>>) dst(%arg7 : memref<100000xf32, #tpu.memory_space<vmem>>)
      %broadcast_in_dim3A = arith.constant 0.000000e+00 : f32
      %broadcast_in_dim3A_75 = vector.broadcast %broadcast_in_dim3A : f32 to vector<16xf32>
      %scan3A = arith.constant 0 : i32
      %scan3A_76 = arith.constant 16 : i32
      %scan3A_77 = arith.addi %scan3A, %scan3A_76 : i32
      %scan3A_78 = arith.constant 1 : i32
      %scan3A_79:2 = scf.for %scan3A_83 = %scan3A to %scan3A_77 step %scan3A_78 iter_args(%scan3A_84 = %broadcast_in_dim3A_75, %scan3A_85 = %broadcast_in_dim3A_75) -> (vector<16xf32>, vector<16xf32>)  : i32 {
        %rem3A_86 = arith.constant 2 : i32
        %rem3A_87 = arith.remsi %scan3A_83, %rem3A_86 : i32
        %add3A_88 = arith.constant 1 : i32
        %add3A_89 = arith.addi %scan3A_83, %add3A_88 : i32
        %lt3A = arith.constant 16 : i32
        %lt3A_90 = arith.cmpi slt, %add3A_89, %lt3A : i32
        %convert_element_type3A_91 = arith.extui %lt3A_90 : i1 to i32
        %cond3A_92 = arith.constant 0 : i32
        %cond3A_93 = arith.cmpi ne, %convert_element_type3A_91, %cond3A_92 : i32
        scf.if %cond3A_93 {
          %sub3A_132 = arith.constant 1 : i32
          %sub3A_133 = arith.subi %sub3A_132, %rem3A_87 : i32
          %add3A_134 = arith.constant 1 : i32
          %add3A_135 = arith.addi %scan3A_83, %add3A_134 : i32
          %add3A_136 = arith.addi %select_n3A, %add3A_135 : i32
          %sub3A_137 = arith.constant 1 : i32
          %sub3A_138 = arith.subi %select_n3A_43, %sub3A_137 : i32
          %min3A_139 = arith.minsi %add3A_136, %sub3A_138 : i32
          %mul3A_140 = arith.constant 6400 : i32
          %mul3A_141 = arith.muli %min3A_139, %mul3A_140 : i32
          %multiple_of3A_142 = tpu.assume_multiple %mul3A_141, 128 : i32
          %dma_start3A_143 = arith.constant 0 : i32
          %dma_start3A_144 = arith.constant 0 : i32
          %dma_start3A_145 = tpu.memref_slice %arg8[%sub3A_133, %dma_start3A_143, %dma_start3A_144] : memref<2x2x6400xi32, #tpu.memory_space<vmem>> -> memref<1x2x6400xi32, #tpu.memory_space<vmem>>
          %dma_start3A_146 = tpu.memref_squeeze %dma_start3A_145 : memref<1x2x6400xi32, #tpu.memory_space<vmem>> -> memref<2x6400xi32, #tpu.memory_space<vmem>>
          %dma_start3A_147 = arith.constant 0 : i32
          %dma_start3A_148 = tpu.memref_slice %arg5[%dma_start3A_147, %multiple_of3A_142] : memref<2x1600000xi32, #tpu.memory_space<hbm>> -> memref<2x6400xi32, #tpu.memory_space<hbm>>
          %dma_start3A_149 = tpu.memref_slice %arg11[%sub3A_133] : memref<2x!tpu.dma_semaphore, #tpu.memory_space<semaphore_mem>> -> memref<1x!tpu.dma_semaphore, #tpu.memory_space<semaphore_mem>>
          %dma_start3A_150 = tpu.memref_squeeze %dma_start3A_149 : memref<1x!tpu.dma_semaphore, #tpu.memory_space<semaphore_mem>> -> memref<!tpu.dma_semaphore, #tpu.memory_space<semaphore_mem>>
          %dma_start3A_151 = arith.constant 0 : i32
          %dma_start3A_152 = arith.constant 0 : i32
          %dma_start3A_153 = tpu.memref_slice %arg8[%sub3A_133, %dma_start3A_151, %dma_start3A_152] : memref<2x2x6400xi32, #tpu.memory_space<vmem>> -> memref<1x2x6400xi32, #tpu.memory_space<vmem>>
          %dma_start3A_154 = tpu.memref_squeeze %dma_start3A_153 : memref<1x2x6400xi32, #tpu.memory_space<vmem>> -> memref<2x6400xi32, #tpu.memory_space<vmem>>
          %dma_start3A_155 = arith.constant 0 : i32
          %dma_start3A_156 = tpu.memref_slice %arg5[%dma_start3A_155, %multiple_of3A_142] : memref<2x1600000xi32, #tpu.memory_space<hbm>> -> memref<2x6400xi32, #tpu.memory_space<hbm>>
          tpu.enqueue_dma source(%dma_start3A_156 : memref<2x6400xi32, #tpu.memory_space<hbm>>) target(%dma_start3A_154 : memref<2x6400xi32, #tpu.memory_space<vmem>>) target_semaphore(%dma_start3A_150 : memref<!tpu.dma_semaphore, #tpu.memory_space<semaphore_mem>>)
        } else {
        }
        %add3A_94 = arith.constant 0 : i32
        %add3A_95 = arith.addi %select_n3A, %add3A_94 : i32
        %sub3A_96 = arith.constant 1 : i32
        %sub3A_97 = arith.subi %select_n3A_43, %sub3A_96 : i32
        %min3A_98 = arith.minsi %add3A_95, %sub3A_97 : i32
        %mul3A_99 = arith.constant 6400 : i32
        %mul3A_100 = arith.muli %min3A_98, %mul3A_99 : i32
        %multiple_of3A_101 = tpu.assume_multiple %mul3A_100, 128 : i32
        %dma_wait3A = arith.constant 0 : i32
        %dma_wait3A_102 = arith.constant 0 : i32
        %dma_wait3A_103 = tpu.memref_slice %arg8[%rem3A_87, %dma_wait3A, %dma_wait3A_102] : memref<2x2x6400xi32, #tpu.memory_space<vmem>> -> memref<1x2x6400xi32, #tpu.memory_space<vmem>>
        %dma_wait3A_104 = tpu.memref_squeeze %dma_wait3A_103 : memref<1x2x6400xi32, #tpu.memory_space<vmem>> -> memref<2x6400xi32, #tpu.memory_space<vmem>>
        %dma_wait3A_105 = arith.constant 0 : i32
        %dma_wait3A_106 = tpu.memref_slice %arg5[%dma_wait3A_105, %multiple_of3A_101] : memref<2x1600000xi32, #tpu.memory_space<hbm>> -> memref<2x6400xi32, #tpu.memory_space<hbm>>
        %dma_wait3A_107 = tpu.memref_slice %arg11[%rem3A_87] : memref<2x!tpu.dma_semaphore, #tpu.memory_space<semaphore_mem>> -> memref<1x!tpu.dma_semaphore, #tpu.memory_space<semaphore_mem>>
        %dma_wait3A_108 = tpu.memref_squeeze %dma_wait3A_107 : memref<1x!tpu.dma_semaphore, #tpu.memory_space<semaphore_mem>> -> memref<!tpu.dma_semaphore, #tpu.memory_space<semaphore_mem>>
        %dma_wait3A_109 = arith.constant 0 : i32
        %dma_wait3A_110 = arith.constant 0 : i32
        %dma_wait3A_111 = tpu.memref_slice %arg8[%rem3A_87, %dma_wait3A_109, %dma_wait3A_110] : memref<2x2x6400xi32, #tpu.memory_space<vmem>> -> memref<1x2x6400xi32, #tpu.memory_space<vmem>>
        %dma_wait3A_112 = tpu.memref_squeeze %dma_wait3A_111 : memref<1x2x6400xi32, #tpu.memory_space<vmem>> -> memref<2x6400xi32, #tpu.memory_space<vmem>>
        %dma_wait3A_113 = arith.constant 0 : i32
        %dma_wait3A_114 = tpu.memref_slice %arg5[%dma_wait3A_113, %multiple_of3A_101] : memref<2x1600000xi32, #tpu.memory_space<hbm>> -> memref<2x6400xi32, #tpu.memory_space<hbm>>
        tpu.wait_dma2 semaphore(%dma_wait3A_108 : memref<!tpu.dma_semaphore, #tpu.memory_space<semaphore_mem>>) src(%dma_wait3A_114 : memref<2x6400xi32, #tpu.memory_space<hbm>>) dst(%dma_wait3A_112 : memref<2x6400xi32, #tpu.memory_space<vmem>>)
        %broadcast_in_dim3A_115 = arith.constant 0.000000e+00 : f32
        %broadcast_in_dim3A_116 = vector.broadcast %broadcast_in_dim3A_115 : f32 to vector<16xf32>
        %broadcast_in_dim3A_117 = arith.constant 0.000000e+00 : f32
        %broadcast_in_dim3A_118 = vector.broadcast %broadcast_in_dim3A_117 : f32 to vector<16xf32>
        %parallel_loop3A = arith.constant 0 : i32
        %parallel_loop3A_119 = arith.constant 400 : i32
        %parallel_loop3A_120 = arith.constant 1 : i32
        %parallel_loop3A_121:2 = scf.for %parallel_loop3A_132 = %parallel_loop3A to %parallel_loop3A_119 step %parallel_loop3A_120 iter_args(%parallel_loop3A_133 = %broadcast_in_dim3A_116, %parallel_loop3A_134 = %broadcast_in_dim3A_118) -> (vector<16xf32>, vector<16xf32>)  : i32 {
          %parallel_loop3A_135 = arith.constant 16 : i32
          %parallel_loop3A_136 = arith.muli %parallel_loop3A_132, %parallel_loop3A_135 : i32
          %parallel_loop3A_137 = tpu.assume_multiple %parallel_loop3A_136, 16 : i32
          %parallel_loop3A_138 = arith.constant 0 : i32
          %parallel_loop3A_139 = arith.index_cast %rem3A_87 : i32 to index
          %parallel_loop3A_140 = arith.index_cast %parallel_loop3A_138 : i32 to index
          %parallel_loop3A_141 = arith.index_cast %parallel_loop3A_137 : i32 to index
          %parallel_loop3A_142 = tpu.vector_load %arg8[%parallel_loop3A_139, %parallel_loop3A_140, %parallel_loop3A_141] {strides = array<i32>} : memref<2x2x6400xi32, #tpu.memory_space<vmem>>, vector<16xi32>,
          %parallel_loop3A_143 = tpu.vector_load_idx %arg7[%parallel_loop3A_142] : memref<100000xf32, #tpu.memory_space<vmem>>[vector<16xi32>], vector<16xf32>,
          %parallel_loop3A_144 = arith.constant 1 : i32
          %parallel_loop3A_145 = arith.index_cast %rem3A_87 : i32 to index
          %parallel_loop3A_146 = arith.index_cast %parallel_loop3A_144 : i32 to index
          %parallel_loop3A_147 = arith.index_cast %parallel_loop3A_137 : i32 to index
          %parallel_loop3A_148 = tpu.vector_load %arg8[%parallel_loop3A_145, %parallel_loop3A_146, %parallel_loop3A_147] {strides = array<i32>} : memref<2x2x6400xi32, #tpu.memory_space<vmem>>, vector<16xi32>,
          %parallel_loop3A_149 = tpu.vector_load_idx %arg7[%parallel_loop3A_148] : memref<100000xf32, #tpu.memory_space<vmem>>[vector<16xi32>], vector<16xf32>,
          %parallel_loop3A_150 = arith.subf %parallel_loop3A_143, %parallel_loop3A_149 : vector<16xf32>
          %parallel_loop3A_151 = math.absf %parallel_loop3A_150 : vector<16xf32>
          %parallel_loop3A_152 = arith.addf %parallel_loop3A_133, %parallel_loop3A_151 : vector<16xf32>
          scf.yield %parallel_loop3A_134, %parallel_loop3A_152 : vector<16xf32>, vector<16xf32>
        } {sc.loop_unroll_factor = 8 : i64, sc.parallel_access}
        %add3A_122 = arith.addi %select_n3A, %scan3A_83 : i32
        %lt3A_123 = arith.cmpi slt, %add3A_122, %select_n3A_43 : i32
        %jit3A_124 = arith.constant 0.000000e+00 : f32
        %broadcast_in_dim3A_125 = vector.broadcast %jit3A_124 : f32 to vector<16xf32>
        %select_n3A_126 = arith.select %lt3A_123, %parallel_loop3A_121#0, %broadcast_in_dim3A_125 : vector<16xf32>
        %add3A_127 = arith.addf %scan3A_84, %select_n3A_126 : vector<16xf32>
        %jit3A_128 = arith.constant 0.000000e+00 : f32
        %broadcast_in_dim3A_129 = vector.broadcast %jit3A_128 : f32 to vector<16xf32>
        %select_n3A_130 = arith.select %lt3A_123, %parallel_loop3A_121#1, %broadcast_in_dim3A_129 : vector<16xf32>
        %add3A_131 = arith.addf %scan3A_85, %select_n3A_130 : vector<16xf32>
        scf.yield %add3A_127, %add3A_131 : vector<16xf32>, vector<16xf32>
      }
      %scan3A_80 = arith.constant 16 : i32
      %add3A_81 = arith.addf %scan3A_79#0, %scan3A_79#1 : vector<16xf32>
      %swap3A = arith.constant 0 : index
      %swap3A_82 = tpu.vector_load %arg9[%swap3A] {strides = array<i32>} : memref<16xf32, #tpu.memory_space<vmem>>, vector<16xf32>,
      tpu.vector_store %arg9[%swap3A], %add3A_81 {strides = array<i32>} : memref<16xf32, #tpu.memory_space<vmem>>, vector<16xf32>,
    } else {
    }
    %mul3A_51 = arith.constant 2 : i32
    %mul3A_52 = arith.muli %arg1, %mul3A_51 : i32
    %add3A_53 = arith.addi %mul3A_52, %arg0 : i32
    "tpu.region"() ({
      %run_scoped3A = tpu.sem_alloc : memref<!tpu.dma_semaphore, #tpu.memory_space<semaphore_mem>>
      %dma_start3A = arith.constant 0 : i32
      %dma_start3A_54 = tpu.memref_slice %arg6[%add3A_53, %dma_start3A] : memref<32x16xf32, #tpu.memory_space<hbm>> -> memref<1x16xf32, #tpu.memory_space<hbm>>
      %dma_start3A_55 = tpu.memref_squeeze %dma_start3A_54 : memref<1x16xf32, #tpu.memory_space<hbm>> -> memref<16xf32, #tpu.memory_space<hbm>>
      %dma_start3A_56 = arith.constant 0 : i32
      %dma_start3A_57 = tpu.memref_slice %arg6[%add3A_53, %dma_start3A_56] : memref<32x16xf32, #tpu.memory_space<hbm>> -> memref<1x16xf32, #tpu.memory_space<hbm>>
      %dma_start3A_58 = tpu.memref_squeeze %dma_start3A_57 : memref<1x16xf32, #tpu.memory_space<hbm>> -> memref<16xf32, #tpu.memory_space<hbm>>
      tpu.enqueue_dma source(%arg9 : memref<16xf32, #tpu.memory_space<vmem>>) target(%dma_start3A_58 : memref<16xf32, #tpu.memory_space<hbm>>) target_semaphore(%run_scoped3A : memref<!tpu.dma_semaphore, #tpu.memory_space<semaphore_mem>>)
      %dma_wait3A = arith.constant 0 : i32
      %dma_wait3A_59 = tpu.memref_slice %arg6[%add3A_53, %dma_wait3A] : memref<32x16xf32, #tpu.memory_space<hbm>> -> memref<1x16xf32, #tpu.memory_space<hbm>>
      %dma_wait3A_60 = tpu.memref_squeeze %dma_wait3A_59 : memref<1x16xf32, #tpu.memory_space<hbm>> -> memref<16xf32, #tpu.memory_space<hbm>>
      %dma_wait3A_61 = arith.constant 0 : i32
      %dma_wait3A_62 = tpu.memref_slice %arg6[%add3A_53, %dma_wait3A_61] : memref<32x16xf32, #tpu.memory_space<hbm>> -> memref<1x16xf32, #tpu.memory_space<hbm>>
      %dma_wait3A_63 = tpu.memref_squeeze %dma_wait3A_62 : memref<1x16xf32, #tpu.memory_space<hbm>> -> memref<16xf32, #tpu.memory_space<hbm>>
      tpu.wait_dma2 semaphore(%run_scoped3A : memref<!tpu.dma_semaphore, #tpu.memory_space<semaphore_mem>>) src(%arg9 : memref<16xf32, #tpu.memory_space<vmem>>) dst(%dma_wait3A_63 : memref<16xf32, #tpu.memory_space<hbm>>)
      tpu.yield
    }) : () -> ()
    return
  }
}

</mosaic_0001>

<sc_bundles>
// kernel: kernel.3.cloned.1.call-start
scs
__scs_entry_jumppad:
0x0: {  	(pc) =	sbr.rel $0x88, $3  }
0x1: {  	(tag) =	ssettag $0x0;
	lr =	simm.s32 $0x1  }
0x2: {  	[smem:$0x3F9D] =	sst lr;
	_ =	strace $0xD0000000  }
0x3: {  	_ = 	snop  }
0x4: {  	_ = 	snop  }
0x5: {  	_ = 	snop  }
0x6: {  	_ = 	snop  }
0x7: {  	_ = 	snop  }
__scs_overlays_trampoline_lowered:
0x8: {  	[smem:$0x3FAC] =	sst s0  }
0x9: {  	[smem:$0x3FAD] =	sst s1  }
0xa: {  	[smem:$0x3FAE] =	sst s2  }
0xb: {  	[smem:$0x3FAF] =	sst s3  }
0xc: {  	[smem:$0x3FB0] =	sst s4  }
0xd: {  	[smem:$0x3FB1] =	sst s5  }
0xe: {  	[smem:$0x3FB2] =	sst s6  }
0xf: {  	[smem:$0x3FB3] =	sst s7  }
0x10: {  	[smem:$0x3FB4] =	sst s8  }
0x11: {  	[smem:$0x3FB5] =	sst s9;
	s0 =	simm.s32 @!p0 $0x0  }
0x12: {  	s1 =	sld [smem:$0x3F9B];
	s0 =	simm.s32 @p0 $0x1  }
0x13: {  	[smem:$0x3FB6] =	sst s0;
	s0 =	simm.s32 @!p1 $0x0  }
0x14: {  	s2 =	sld [smem:$0x3F9A];
	s0 =	simm.s32 @p1 $0x1  }
0x15: {  	[smem:$0x3FB7] =	sst s0;
	s0 =	simm.s32 @!p2 $0x0  }
0x16: {  	s3 =	sld [smem:$0x3FDB];
	s0 =	simm.s32 @p2 $0x1  }
0x17: {  	s4 =	simm.s32 $0x1BF5;
	[smem:$0x3FB9] =	sst s0  }
0x18: {  	s0 =	sld [smem:$0x3F9C];
	_ =	swait.ge [sflag:s4], $0x0  }
0x19: {  	s7 =	sld [smem:$0x3F9D]  }
0x1a: {  	s8 =	sadd.s32 $0xFFFFE003, lr  }
0x1b: {  	s9 =	sadd.s32 $0xFFFFFEF7, lr;
	s5 =	simm.s32 $0xFFFFFFFF;
	p2 =	slt.u32 s8, $0xFFFFF086  }
0x1c: {  	p1 =	slt.u32 s9, $0xF7A;
	s5 =	simm.s32 @!p2 $0x0  }
0x1d: {  	s5 =	simm.s32 @p1 $0x1;
	p0 =	seq.s32 s7, s2  }
0x1e: {  	s7 =	smul.u32 @!p0 $0xF7A, s2;
	p2 =	seq.s32 @!p0 s5, $0x0  }
0x1f: {  	s9 =	smul.u32 $0xF7A, s1;
	s8 =	simm.s32 @!p0 $0x1BF5;
	p2 =	por !p2, p0  }
0x20: {  	[sflag:s8] =	ssyncset.s32 @!p0 $0xFFFFF086;
	s6 =	sadd.s32 @!p0 s3, s7;
	s7 =	simm.s32 @!p0 $0x108  }
0x21: {  	s3 =	sadd.s32 s3, s9;
	s6 =	sadd.s32 @!p0 $0x88, s6;
	s7 =	simm.s32 @p2 $0x1082  }
0x22: {  	[simem:s7], [sflag:s8] =	dma.local @!p0 [hbm:s6], $0xF7A  }
0x23: {  	s9 =	sor.u32 $0xD0000000, s2;
	s6 =	simm.s32 $0x108;
	_ =	swait.ge @!p0 [sflag:s8], $0x0  }
0x24: {  	s3 =	sadd.s32 $0x88, s3;
	s6 =	simm.s32 @!p1 $0x1082;
	[sflag:s4] =	ssyncset.s32 $0xFFFFF086  }
0x25: {  	[simem:s6], [sflag:s4] =	dma.local [hbm:s3], $0xF7A  }
0x26: {  	[smem:$0x3F9D] =	sst s1;
	(tag) =	ssettag s2;
	_ =	strace s9  }
0x27: {  	s1 =	sld [smem:$0x3FAD]  }
0x28: {  	s2 =	sld [smem:$0x3FAE]  }
0x29: {  	s4 =	sld [smem:$0x3FB0]  }
0x2a: {  	p0 =	seq.s32 s5, $0x0;
	s5 =	sld [smem:$0x3FB1]  }
0x2b: {  	s6 =	sld [smem:$0x3FB2]  }
0x2c: {  	s7 =	sld [smem:$0x3FB3]  }
0x2d: {  	s3 =	simm.s32 $0x108;
	s8 =	sld [smem:$0x3FB4]  }
0x2e: {  	s3 =	simm.s32 @!p0 $0x1082;
	s9 =	sld [smem:$0x3FB5]  }
0x2f: {  	lr =	sadd.s32 s0, s3;
	s0 =	sld [smem:$0x3FAC]  }
0x30: {  	s3 =	sld [smem:$0x3FAF]  }
0x31: {  	[smem:$0x3FB8] =	sst s10  }
0x32: {  	s10 =	sld [smem:$0x3FB6];
	_ =	sdelay $0x3  }
0x33: {  	p0 =	seq.s32 s10, $0x1;
	s10 =	sld [smem:$0x3FB8];
	_ =	sdelay $0x3  }
0x34: {  	[smem:$0x3FB8] =	sst s10  }
0x35: {  	s10 =	sld [smem:$0x3FB7];
	_ =	sdelay $0x3  }
0x36: {  	p1 =	seq.s32 s10, $0x1;
	s10 =	sld [smem:$0x3FB8];
	_ =	sdelay $0x3  }
0x37: {  	[smem:$0x3FB8] =	sst s10  }
0x38: {  	s10 =	sld [smem:$0x3FB9]  }
0x39: {  	_ = 	snop;
	(pc) =	sbr.ind lr, $3  }
0x3a: {  	_ = 	snop  }
0x3b: {  	_ = 	snop  }
0x3c: {  	p2 =	seq.s32 s10, $0x1;
	s10 =	sld [smem:$0x3FB8]  }
0x3d: {  	_ =	shalt  }
0x3e: {  	_ =	shalt  }
0x3f: {  	_ =	shalt  }
0x40: {  	_ =	shalt  }
0x41: {  	_ =	shalt  }
0x42: {  	_ =	shalt  }
0x43: {  	_ =	shalt  }
0x44: {  	_ =	shalt  }
0x45: {  	_ =	shalt  }
0x46: {  	_ =	shalt  }
0x47: {  	_ =	shalt  }
0x48: {  	_ =	shalt  }
0x49: {  	_ =	shalt  }
0x4a: {  	_ =	shalt  }
0x4b: {  	_ =	shalt  }
0x4c: {  	_ =	shalt  }
0x4d: {  	_ =	shalt  }
0x4e: {  	_ =	shalt  }
0x4f: {  	_ =	shalt  }
0x50: {  	_ =	shalt  }
0x51: {  	_ =	shalt  }
0x52: {  	_ =	shalt  }
0x53: {  	_ =	shalt  }
0x54: {  	_ =	shalt  }
0x55: {  	_ =	shalt  }
0x56: {  	_ =	shalt  }
0x57: {  	_ =	shalt  }
0x58: {  	_ =	shalt  }
0x59: {  	_ =	shalt  }
0x5a: {  	_ =	shalt  }
0x5b: {  	_ =	shalt  }
0x5c: {  	_ =	shalt  }
0x5d: {  	_ =	shalt  }
0x5e: {  	_ =	shalt  }
0x5f: {  	_ =	shalt  }
0x60: {  	_ =	shalt  }
0x61: {  	_ =	shalt  }
0x62: {  	_ =	shalt  }
0x63: {  	_ =	shalt  }
0x64: {  	_ =	shalt  }
0x65: {  	_ =	shalt  }
0x66: {  	_ =	shalt  }
0x67: {  	_ =	shalt  }
0x68: {  	_ =	shalt  }
0x69: {  	_ =	shalt  }
0x6a: {  	_ =	shalt  }
0x6b: {  	_ =	shalt  }
0x6c: {  	_ =	shalt  }
0x6d: {  	_ =	shalt  }
0x6e: {  	_ =	shalt  }
0x6f: {  	_ =	shalt  }
0x70: {  	_ =	shalt  }
0x71: {  	_ =	shalt  }
0x72: {  	_ =	shalt  }
0x73: {  	_ =	shalt  }
0x74: {  	_ =	shalt  }
0x75: {  	_ =	shalt  }
0x76: {  	_ =	shalt  }
0x77: {  	_ =	shalt  }
0x78: {  	_ =	shalt  }
0x79: {  	_ =	shalt  }
0x7a: {  	_ =	shalt  }
0x7b: {  	_ =	shalt  }
0x7c: {  	_ =	shalt  }
0x7d: {  	_ =	shalt  }
0x7e: {  	_ =	shalt  }
0x7f: {  	_ =	shalt  }
0x80: {  	_ =	shalt  }
0x81: {  	_ =	shalt  }
0x82: {  	_ =	shalt  }
0x83: {  	_ =	shalt  }
0x84: {  	_ =	shalt  }
0x85: {  	_ =	shalt  }
0x86: {  	_ =	shalt  }
0x87: {  	_ =	shalt  }
.Lfunc_end0:
.L_simem_size_0:
called_computation_lowered:
.L_overlay_start_0:
0x88: {  	s2 =	sld [smem:$0x3FD9]  }
0x89: {  	s3 =	sld [smem:$0x3FFE];
	_ =	sdelay $0x1  }
0x8a: {  	s1 =	srdreg.scid  }
0x8b: {  	s0 =	sand.u32 $0x1, s1  }
0x8c: {  	s17 =	sshll.u32 s0, $0xA;
	s2 =	sadd.s32 s3, s2  }
0x8d: {  	s2 =	sadd.s32 s2, s17  }
0x8e: {  	[smem:$0x3FC4] =	sst s2  }
0x8f: {  	_ = 	snop  }
0x90: {  	s2 =	sld [smem:$0x3FC9]  }
0x91: {  	s18 =	sld [smem:$0x3FC8]  }
0x92: {  	s4 =	sld [smem:$0x3FC7]  }
0x93: {  	s5 =	sld [smem:$0x3FC6];
	(tm) =	ssettm $0x1  }
0x94: {  	s6 =	sld [smem:$0x3FFB];
	_ =	sdelay $0x3  }
0x95: {  	_ =	strace s6  }
0x96: {  	s6 =	sld [smem:$0x3FFC];
	_ =	sdelay $0x3  }
0x97: {  	_ =	strace s6  }
0x98: {  	s6 =	sld [smem:$0x3FFD];
	_ =	sdelay $0x3  }
0x99: {  	_ =	strace s6  }
0x9a: {  	_ =	strace $0x8FFFFFFF  }
0x9b: {  	s19 =	sld [smem:$0x3FDB];
	_ =	sdelay $0x1  }
0x9c: {  	s7 =	simm.s32 $_scs_section_size  }
0x9d: {  	s8 =	simm.s32 $_size__tile_overlayer_lowered;
	s9 =	simm.s32 $_tile_overlayer_lowered  }
0x9e: {  	s22 =	simm.s32 $0x1BFF;
	s21 =	sshll.u32 s9, $0x1;
	s6 =	sadd.s32 s7, s19  }
0x9f: {  	s10 =	simm.s32 $0x0;
	s20 =	sshll.u32 s8, $0x1;
	s8 =	sadd.s32 s21, s6  }
0xa0: {  	[timem:s10], [sflag:s22] =	dma.local [hbm:s8], s20  }
0xa1: {  	_ =	swait.ge [sflag:s22], s20  }
0xa2: {  	s7 =	ssub.s32 $0x0, s20;
	[sflag:s22] =	ssyncset.done $0x0  }
0xa3: {  	[sflag:s22] =	ssyncadd.s32 s7;
	_ =	sdelay $0x1  }
0xa4: {  	s23 =	simm.s32 $0x1B8B  }
0xa5: {  	_ =	swait.ge [sflag:s23], $0x1  }
0xa6: {  	[sflag:s23] =	ssyncset.done $0x0  }
0xa7: {  	s25 =	simm.s32 $0x1B8E;
	s24 =	sld [smem:$0x3FFE];
	[sflag:s23] =	ssyncadd.s32 $0xFFFFFFFF  }
0xa8: {  	s26 =	simm.s32 $execute0_lowered;
	[smem:$0x3FD2] =	sst s25  }
0xa9: {  	s8 =	sshll.u32 s26, $0x1;
	_ =	strace $0x80000046;
	[dreg:$0x1] =	wrdreg $0xFFFFFFFF  }
0xaa: {  	s28 =	simm.s32 $_size_execute0_lowered;
	s6 =	sadd.s32 s6, s8;
	[dreg:$0x0] =	wrdreg $0x0  }
0xab: {  	s8 =	sshll.u32 s28, $0x1;
	[dreg:$0x2] =	wrdreg s6  }
0xac: {  	[dreg:$0x3] =	wrdreg s8  }
0xad: {  	[dreg:$0x4] =	wrdreg $0xC0  }
0xae: {  	_ =	task [dreg:s10], $0x5FFFF  }
0xaf: {  	[dreg:$0x1] =	wrdreg $0xFFFFFFFF  }
0xb0: {  	[dreg:$0x0] =	wrdreg $0x60  }
0xb1: {  	[dreg:$0x2] =	wrdreg s2  }
0xb2: {  	[dreg:$0x3] =	wrdreg s18  }
0xb3: {  	[dreg:$0x4] =	wrdreg s4  }
0xb4: {  	[dreg:$0x5] =	wrdreg s5  }
0xb5: {  	[dreg:$0x6] =	wrdreg s24  }
0xb6: {  	[dreg:$0x7] =	wrdreg $0x9  }
0xb7: {  	_ =	task.clear_ibuf [dreg:s10], $0x8FFFF;
	_ =	strace $0x90000046  }
0xb8: {  	s29 =	simm.s32 $0x9;
	_ =	strace $0x80000048  }
0xb9: {  	_ =	swait.ge [sflag:s29], $0x1  }
0xba: {  	[sflag:s29] =	ssyncadd.s32 $0xFFFFFFFF  }
0xbb: {  	_ =	strace $0x90000048  }
0xbc: {  	_ =	sfence  }
0xbd: {  	s30 =	sld [smem:$0x0];
	_ =	sdelay $0x2  }
0xbe: {  	s31 =	sshll.u32 s1, $0xD;
	s1 =	sshrl.u32 s1, $0x2  }
0xbf: {  	s3 =	sand.u32 $0x4000, s31;
	s1 =	sadd.s32 s1, s30  }
0xc0: {  	s0 =	sor.u32 s3, s0;
	s1 =	sshll.u32 s1, $0x11  }
0xc1: {  	s0 =	sor.u32 s1, s0  }
0xc2: {  	s0 =	sadd.s32 $0x8F2B, s0  }
0xc3: {  	[sflag:s0] =	ssyncadd.remote.s32 $0x1  }
0xc4: {  	_ =	sfence.sel $0xFFFF  }
0xc5: {  	[dreg:$0x0] =	wrdreg $0xFFFFFFFF;
	(pc) =	sbr.abs _section_cstart, $3  }
0xc6: {  	[dreg:$0x1] =	wrdreg $0xFFFFFFFF  }
0xc7: {  	_ =	task.clear_ibuf [dreg:s10], $0x2FFFF;
	_ =	strace $0x9FFFFFFF  }
0xc8: {  	(tm) =	ssettm $0x7FFFFFFF  }
0xc9: {  	_ =	shalt  }
tec
execute0_lowered:
.L_overlay_start_1:
0x0: {  	(tag) =	ssettag $0x1  }
0x1: {  	s1 =	rddreg [dreg:$0x0]  }
0x2: {  	s3 =	rddreg [dreg:$0x1]  }
0x3: {  	s4 =	rddreg [dreg:$0x2]  }
0x4: {  	s5 =	rddreg [dreg:$0x3]  }
0x5: {  	s0 =	stileid.u32;
	s10 =	rddreg [dreg:$0x4]  }
0x6: {  	s2 =	rddreg [dreg:$0x5];
	s6 =	simm.s32 $0x0;
	s7 =	srdreg.scid  }
0x7: {  	s16 =	simm.s32 $0x1EB00;
	s17 =	simm.s32 $0x4;
	s8 =	smul.u32 $0xFA, s0  }
0x8: {  	s18 =	simm.s32 $0x0;
	[smem:$0x7FF] =	sst s6;
	s11 =	sand.u32 $0x1, s7  }
0x9: {  	s15 =	sshll.u32 s0, $0x5;
	s12 =	ssub.s32 $0x2, s11;
	s9 =	sadd.s32 $0xFA, s8  }
0xa: {  	_ =	strace $0x80000047;
	s31 =	sshll.u32 s11, $0x4;
	s7 =	sshrl.u32 s9, $0x4  }
.Ltmp0:
0xb: {  	s8 =	sshrl.u32 s8, $0x4;
	s9 =	sadd.s32 $0xFFFFFFFF, s7;
	(pc) =	sbr.rel .LBB2_1-.Ltmp0, $4  }
0xc: {  	p0 =	seq.s32 s11, $0x1;
	s13 =	sshrl.u32 s12, $0x1;
	s14 =	smin.u32 s8, s9  }
0xd: {  	s13 =	ssub.s32 s12, s13;
	s30 =	smul.u32 $0x640, s14;
	s14 =	sadd.s32 s10, s31  }
0xe: {  	s13 =	smax.u32 s13, $0x1;
	s12 =	sadd.s32 s15, s14;
	s14 =	simm.s32 $0x18700  }
0xf: {  	s15 =	simm.s32 $0x1;
	s10 =	sadd.s32 s4, s30;
	s11 =	sadd.s32 s5, s30  }
.LBB2_12:
0x10: {  	s18 =	sadd.s32 $0x1, s18  }
0x11: {  	p1 =	sne.s32 s18, s13  }
.Ltmp1:
0x12: {  	[tilespmem:$0x1EB00] =	vst v0;
	(pc) =	sbr.rel @!p1 .LBB2_13-.Ltmp1, $4  }
0x13: {  	[hbm4b:s12+s6] =	stream.linear.scatter [tilespmem:s16], [sflag:$0x4], $0x80, $0x38;
	[tilespmem:$0x1EB80] =	vst v63  }
0x14: {  	_ =	swait.ge [sflag:s17], $0x80  }
0x15: {  	[sflag:s17] =	ssyncset.done $0x0  }
0x16: {  	[sflag:s17] =	ssyncadd.s32 $0xFFFFFF80  }
.LBB2_1:
.Ltmp2:
0x17: {  	(pc) =	sbr.rel @!p0 .LBB2_2-.Ltmp2, $2  }
0x18: {  	_ =	sdelay $0x2  }
0x19: {  	s19 =	simm.s32 $0x0  }
0x1a: {  	[tilespmem:s19], [sflag:$0x1] =	stream.linear.gather [hbm4b:s3+s19], $0x18700, $0x38;
	[tilespmem:$0x1EB80] =	vst v63  }
0x1b: {  	_ = 	snop  }
0x1c: {  	[tilespmem:s14], [sflag:$0x2] =	stream.linear.gather [hbm4b:s11+s19], $0x3200, $0x38;
	[tilespmem:$0x1EB80] =	vst v63  }
0x1d: {  	_ =	swait.ge [sflag:s15], $0x18700  }
0x1e: {  	[sflag:s15] =	ssyncset.done $0x0  }
0x1f: {  	v0 =	vimm.f32 $0.0e+00;
	p1 =	por $0x0, $0x0;
	v1 =	vimm.f32 $0.0e+00;
	[sflag:s15] =	ssyncadd.s32 $0xFFFE7900  }
.LBB2_8:
0x20: {  	s20 =	sadd.s32 $0x1, s19;
	p2 =	seq.s32 s19, $0xF  }
0x21: {  	s21 =	sadd.s32 @!p2 s8, s20  }
0x22: {  	s22 =	sand.u32 $0x1, s19;
	p3 =	slt.s32 @!p2 s21, s9  }
0x23: {  	s23 =	sxor.u32 @!p2 $0x1, s22;
	p3 =	por !p3, p2  }
0x24: {  	s24 =	smul.u32 @!p2 $0xC800, s23;
	s21 =	smov.u32 @p3 s9  }
0x25: {  	s25 =	simm.s32 $0x1;
	s21 =	smul.u32 @!p2 $0x3200, s21  }
0x26: {  	s25 =	simm.s32 @!p1 $0x0;
	s26 =	simm.s32 @!p2 $0x0;
	s22 =	sor.u32 $0x2, s22  }
0x27: {  	s23 =	sor.u32 @!p2 $0x2, s23;
	s24 =	sshrl.u32 @!p2 s24, $0x2;
	s21 =	sshrl.u32 @!p2 s21, $0x3  }
0x28: {  	s30 =	smul.u32 $0xC800, s25;
	s24 =	sadd.s32 @!p2 $0x18700, s24;
	s21 =	sadd.s32 @!p2 s5, s21  }
0x29: {  	[tilespmem:s24], [sflag:s23] =	stream.linear.gather @!p2 [hbm4b:s21+s26], $0x3200, $0x38;
	[tilespmem:$0x1EB80] =	vst v63  }
0x2a: {  	_ =	swait.ge [sflag:s22], $0x3200  }
0x2b: {  	s21 =	sshrl.u32 s30, $0x2;
	[sflag:s22] =	ssyncset.done $0x0  }
0x2c: {  	s31 =	sadd.s32 $0x18780, s21;
	[sflag:s22] =	ssyncadd.s32 $0xFFFFCE00  }
0x2d: {  	v2 =	vld [tilespmem:s31+$0xFFFFFFE0]  }
0x2e: {  	v3 =	vld [tilespmem:s31+$0x60]  }
0x2f: {  	v6 =	vld [tilespmem:s31+$0xFFFFFFF0]  }
0x30: {  	v10 =	vld [tilespmem:s31+$0x70]  }
0x31: {  	v4 =	vld [tilespmem:s31+$0xFFFFFFC0]  }
0x32: {  	v7 =	vld [tilespmem:s31+$0x40]  }
0x33: {  	v9 =	vld [tilespmem:s31+$0xFFFFFFD0]  }
0x34: {  	v12 =	vld [tilespmem:s31+$0x50]  }
0x35: {  	v8 =	vld [tilespmem:s31+$0xFFFFFFA0]  }
0x36: {  	v11 =	vld [tilespmem:s31+$0x20]  }
0x37: {  	v13 =	vld [tilespmem:s31+$0xFFFFFFB0]  }
0x38: {  	v14 =	vld [tilespmem:s31+$0x30]  }
0x39: {  	v15 =	vld [tilespmem:s31+$0xFFFFFF80]  }
0x3a: {  	v16 =	vld [tilespmem:s31+$0x0]  }
0x3b: {  	v17 =	vld [tilespmem:s31+$0xFFFFFF90]  }
0x3c: {  	v18 =	vld [tilespmem:s31+$0x10]  }
0x3d: {  	v2 =	vld.idx.msk [tilespmem:v2+s6+$0x0], $0xffff  }
0x3e: {  	v3 =	vld.idx.msk [tilespmem:v3+s6+$0x0], $0xffff  }
0x3f: {  	v5 =	vld.idx.msk [tilespmem:v4+s6+$0x0], $0xffff  }
0x40: {  	v7 =	vld.idx.msk [tilespmem:v7+s6+$0x0], $0xffff  }
0x41: {  	v8 =	vld.idx.msk [tilespmem:v8+s6+$0x0], $0xffff  }
0x42: {  	v11 =	vld.idx.msk [tilespmem:v11+s6+$0x0], $0xffff  }
0x43: {  	v15 =	vld.idx.msk [tilespmem:v15+s6+$0x0], $0xffff  }
0x44: {  	v16 =	vld.idx.msk [tilespmem:v16+s6+$0x0], $0xffff  }
0x45: {  	v17 =	vld.idx.msk [tilespmem:v17+s6+$0x0], $0xffff  }
0x46: {  	v18 =	vld.idx.msk [tilespmem:v18+s6+$0x0], $0xffff  }
0x47: {  	v13 =	vld.idx.msk [tilespmem:v13+s6+$0x0], $0xffff  }
0x48: {  	v14 =	vld.idx.msk [tilespmem:v14+s6+$0x0], $0xffff  }
0x49: {  	v9 =	vld.idx.msk [tilespmem:v9+s6+$0x0], $0xffff  }
0x4a: {  	v12 =	vld.idx.msk [tilespmem:v12+s6+$0x0], $0xffff  }
0x4b: {  	v6 =	vld.idx.msk [tilespmem:v6+s6+$0x0], $0xffff;
	v4 =	vsub.f32 v2, v3;
	v15 =	vsub.f32 v15, v16  }
0x4c: {  	s21 =	simm.s32 $0x0;
	s22 =	sadd.s32 $0x100, s31;
	v10 =	vld.idx.msk [tilespmem:v10+s6+$0x0], $0xffff;
	v16 =	vsub.f32 v17, v18;
	v2 =	vimm.f32 $0.0e+00;
	v3 =	vimm.f32 $0.0e+00  }
.LBB2_9:
0x4d: {  	v17 =	vld [tilespmem:s22+$0xFFFFFFE0];
	v8 =	vsub.f32 v8, v11;
	v5 =	vsub.f32 v5, v7  }
0x4e: {  	v13 =	vsub.f32 v13, v14;
	v7 =	vld [tilespmem:s22+$0x60];
	v11 =	vand.u32 $0x7FFFFFFF, v15;
	v15 =	vand.u32 $0x7FFFFFFF, v16  }
0x4f: {  	v16 =	vld [tilespmem:s22+$0xFFFFFFF0];
	v2 =	vadd.f32 v11, v2;
	v3 =	vadd.f32 v15, v3  }
0x50: {  	v8 =	vand.u32 $0x7FFFFFFF, v8;
	v11 =	vand.u32 $0x7FFFFFFF, v13;
	v9 =	vsub.f32 v9, v12;
	v18 =	vld [tilespmem:s22+$0x70]  }
0x51: {  	v12 =	vld [tilespmem:s22+$0xFFFFFFC0];
	v2 =	vadd.f32 v8, v2;
	v3 =	vadd.f32 v11, v3  }
0x52: {  	v5 =	vand.u32 $0x7FFFFFFF, v5;
	v9 =	vand.u32 $0x7FFFFFFF, v9;
	v6 =	vsub.f32 v6, v10;
	v8 =	vld [tilespmem:s22+$0x40]  }
0x53: {  	v10 =	vld [tilespmem:s22+$0xFFFFFFD0];
	v2 =	vadd.f32 v5, v2;
	v3 =	vadd.f32 v9, v3  }
0x54: {  	v4 =	vand.u32 $0x7FFFFFFF, v4;
	v5 =	vand.u32 $0x7FFFFFFF, v6;
	v15 =	vld [tilespmem:s22+$0x50]  }
0x55: {  	v6 =	vld [tilespmem:s22+$0xFFFFFFA0];
	v2 =	vadd.f32 v4, v2;
	v3 =	vadd.f32 v5, v3  }
0x56: {  	v4 =	vld [tilespmem:s22+$0x20]  }
0x57: {  	v9 =	vld [tilespmem:s22+$0xFFFFFFB0]  }
0x58: {  	v14 =	vld [tilespmem:s22+$0x30]  }
0x59: {  	v13 =	vld [tilespmem:s22+$0xFFFFFF80]  }
0x5a: {  	v19 =	vld [tilespmem:s22+$0x0]  }
0x5b: {  	v20 =	vld [tilespmem:s22+$0xFFFFFF90]  }
0x5c: {  	v21 =	vld [tilespmem:s22+$0x10]  }
0x5d: {  	v17 =	vld.idx.msk [tilespmem:v17+s6+$0x0], $0xffff  }
0x5e: {  	s21 =	sadd.s32 $0x8, s21;
	v22 =	vld.idx.msk [tilespmem:v7+s6+$0x0], $0xffff  }
0x5f: {  	p2 =	slt.u32 s21, $0x188;
	v5 =	vld.idx.msk [tilespmem:v12+s6+$0x0], $0xffff  }
0x60: {  	v7 =	vld.idx.msk [tilespmem:v8+s6+$0x0], $0xffff  }
0x61: {  	v8 =	vld.idx.msk [tilespmem:v6+s6+$0x0], $0xffff  }
0x62: {  	v11 =	vld.idx.msk [tilespmem:v4+s6+$0x0], $0xffff  }
0x63: {  	v23 =	vld.idx.msk [tilespmem:v13+s6+$0x0], $0xffff  }
0x64: {  	v19 =	vld.idx.msk [tilespmem:v19+s6+$0x0], $0xffff  }
0x65: {  	v20 =	vld.idx.msk [tilespmem:v20+s6+$0x0], $0xffff  }
0x66: {  	v21 =	vld.idx.msk [tilespmem:v21+s6+$0x0], $0xffff  }
0x67: {  	v13 =	vld.idx.msk [tilespmem:v9+s6+$0x0], $0xffff  }
.Ltmp3:
0x68: {  	v14 =	vld.idx.msk [tilespmem:v14+s6+$0x0], $0xffff;
	(pc) =	sbr.rel @p2 .LBB2_9-.Ltmp3, $4  }
0x69: {  	v9 =	vld.idx.msk [tilespmem:v10+s6+$0x0], $0xffff  }
0x6a: {  	v12 =	vld.idx.msk [tilespmem:v15+s6+$0x0], $0xffff  }
0x6b: {  	v4 =	vsub.f32 v17, v22;
	v6 =	vld.idx.msk [tilespmem:v16+s6+$0x0], $0xffff  }
0x6c: {  	s22 =	sadd.s32 $0x100, s22;
	v15 =	vsub.f32 v23, v19;
	v16 =	vsub.f32 v20, v21;
	v10 =	vld.idx.msk [tilespmem:v18+s6+$0x0], $0xffff  }
0x6d: {  	v8 =	vsub.f32 v8, v11;
	v5 =	vsub.f32 v5, v7  }
0x6e: {  	v13 =	vsub.f32 v13, v14;
	v58 =	vand.u32 $0x7FFFFFFF, v15;
	v59 =	vand.u32 $0x7FFFFFFF, v16  }
0x6f: {  	v2 =	vadd.f32 v58, v2;
	v3 =	vadd.f32 v59, v3  }
0x70: {  	v60 =	vand.u32 $0x7FFFFFFF, v8;
	v61 =	vand.u32 $0x7FFFFFFF, v13;
	v9 =	vsub.f32 v9, v12  }
0x71: {  	v2 =	vadd.f32 v60, v2;
	v3 =	vadd.f32 v61, v3  }
0x72: {  	v5 =	vand.u32 $0x7FFFFFFF, v5;
	v62 =	vand.u32 $0x7FFFFFFF, v9;
	v6 =	vsub.f32 v6, v10  }
0x73: {  	v2 =	vadd.f32 v5, v2;
	v3 =	vadd.f32 v62, v3  }
0x74: {  	v4 =	vand.u32 $0x7FFFFFFF, v4;
	v63 =	vand.u32 $0x7FFFFFFF, v6  }
0x75: {  	s19 =	sadd.s32 s8, s19;
	v2 =	vadd.f32 v4, v2;
	v3 =	vadd.f32 v63, v3  }
0x76: {  	p2 =	slt.u32 s19, s7  }
0x77: {  	v2 =	vpsel !p2, $0x0, v2;
	v3 =	vpsel !p2, $0x0, v3;
	p2 =	sne.s32 s20, $0x10  }
.Ltmp4:
0x78: {  	_ = 	snop;
	(pc) =	sbr.rel @p2 .LBB2_8-.Ltmp4, $2  }
0x79: {  	_ =	sdelay $0x2  }
0x7a: {  	p1 =	por !p1, !p1;
	s19 =	smov.u32 s20;
	v1 =	vadd.f32 v2, v1;
	v0 =	vadd.f32 v3, v0  }
.Ltmp5:
0x7b: {  	(pc) =	sbr.rel .LBB2_12-.Ltmp5, $2  }
0x7c: {  	_ =	sdelay $0x2  }
0x7d: {  	v0 =	vadd.f32 v0, v1  }
.LBB2_2:
0x7e: {  	[tilespmem:s19], [sflag:$0x1] =	stream.linear.gather [hbm4b:s1+s19], $0x18700, $0x38;
	[tilespmem:$0x1EB80] =	vst v63  }
0x7f: {  	_ = 	snop  }
0x80: {  	[tilespmem:s14], [sflag:$0x2] =	stream.linear.gather [hbm4b:s10+s19], $0x3200, $0x38;
	[tilespmem:$0x1EB80] =	vst v63  }
0x81: {  	_ =	swait.ge [sflag:s15], $0x18700  }
0x82: {  	[sflag:s15] =	ssyncset.done $0x0  }
0x83: {  	v0 =	vimm.f32 $0.0e+00;
	p1 =	por $0x0, $0x0;
	v1 =	vimm.f32 $0.0e+00;
	[sflag:s15] =	ssyncadd.s32 $0xFFFE7900  }
.LBB2_3:
0x84: {  	s20 =	sadd.s32 $0x1, s19;
	p2 =	seq.s32 s19, $0xF  }
0x85: {  	s21 =	sadd.s32 @!p2 s8, s20  }
0x86: {  	s22 =	sand.u32 $0x1, s19;
	p3 =	slt.s32 @!p2 s21, s9  }
0x87: {  	s23 =	sxor.u32 @!p2 $0x1, s22;
	p3 =	por !p3, p2  }
0x88: {  	s24 =	smul.u32 @!p2 $0xC800, s23;
	s21 =	smov.u32 @p3 s9  }
0x89: {  	s25 =	simm.s32 $0x1;
	s21 =	smul.u32 @!p2 $0x3200, s21  }
0x8a: {  	s25 =	simm.s32 @!p1 $0x0;
	s26 =	simm.s32 @!p2 $0x0;
	s22 =	sor.u32 $0x2, s22  }
0x8b: {  	s23 =	sor.u32 @!p2 $0x2, s23;
	s24 =	sshrl.u32 @!p2 s24, $0x2;
	s21 =	sshrl.u32 @!p2 s21, $0x3  }
0x8c: {  	s30 =	smul.u32 $0xC800, s25;
	s24 =	sadd.s32 @!p2 $0x18700, s24;
	s21 =	sadd.s32 @!p2 s4, s21  }
0x8d: {  	[tilespmem:s24], [sflag:s23] =	stream.linear.gather @!p2 [hbm4b:s21+s26], $0x3200, $0x38;
	[tilespmem:$0x1EB80] =	vst v63  }
0x8e: {  	_ =	swait.ge [sflag:s22], $0x3200  }
0x8f: {  	s21 =	sshrl.u32 s30, $0x2;
	[sflag:s22] =	ssyncset.done $0x0  }
0x90: {  	s31 =	sadd.s32 $0x18780, s21;
	[sflag:s22] =	ssyncadd.s32 $0xFFFFCE00  }
0x91: {  	v2 =	vld [tilespmem:s31+$0xFFFFFFE0]  }
0x92: {  	v3 =	vld [tilespmem:s31+$0x60]  }
0x93: {  	v6 =	vld [tilespmem:s31+$0xFFFFFFF0]  }
0x94: {  	v10 =	vld [tilespmem:s31+$0x70]  }
0x95: {  	v4 =	vld [tilespmem:s31+$0xFFFFFFC0]  }
0x96: {  	v7 =	vld [tilespmem:s31+$0x40]  }
0x97: {  	v9 =	vld [tilespmem:s31+$0xFFFFFFD0]  }
0x98: {  	v12 =	vld [tilespmem:s31+$0x50]  }
0x99: {  	v8 =	vld [tilespmem:s31+$0xFFFFFFA0]  }
0x9a: {  	v11 =	vld [tilespmem:s31+$0x20]  }
0x9b: {  	v13 =	vld [tilespmem:s31+$0xFFFFFFB0]  }
0x9c: {  	v14 =	vld [tilespmem:s31+$0x30]  }
0x9d: {  	v15 =	vld [tilespmem:s31+$0xFFFFFF80]  }
0x9e: {  	v16 =	vld [tilespmem:s31+$0x0]  }
0x9f: {  	v17 =	vld [tilespmem:s31+$0xFFFFFF90]  }
0xa0: {  	v18 =	vld [tilespmem:s31+$0x10]  }
0xa1: {  	v2 =	vld.idx.msk [tilespmem:v2+s6+$0x0], $0xffff  }
0xa2: {  	v3 =	vld.idx.msk [tilespmem:v3+s6+$0x0], $0xffff  }
0xa3: {  	v5 =	vld.idx.msk [tilespmem:v4+s6+$0x0], $0xffff  }
0xa4: {  	v7 =	vld.idx.msk [tilespmem:v7+s6+$0x0], $0xffff  }
0xa5: {  	v8 =	vld.idx.msk [tilespmem:v8+s6+$0x0], $0xffff  }
0xa6: {  	v11 =	vld.idx.msk [tilespmem:v11+s6+$0x0], $0xffff  }
0xa7: {  	v15 =	vld.idx.msk [tilespmem:v15+s6+$0x0], $0xffff  }
0xa8: {  	v16 =	vld.idx.msk [tilespmem:v16+s6+$0x0], $0xffff  }
0xa9: {  	v17 =	vld.idx.msk [tilespmem:v17+s6+$0x0], $0xffff  }
0xaa: {  	v18 =	vld.idx.msk [tilespmem:v18+s6+$0x0], $0xffff  }
0xab: {  	v13 =	vld.idx.msk [tilespmem:v13+s6+$0x0], $0xffff  }
0xac: {  	v14 =	vld.idx.msk [tilespmem:v14+s6+$0x0], $0xffff  }
0xad: {  	v9 =	vld.idx.msk [tilespmem:v9+s6+$0x0], $0xffff  }
0xae: {  	v12 =	vld.idx.msk [tilespmem:v12+s6+$0x0], $0xffff  }
0xaf: {  	v6 =	vld.idx.msk [tilespmem:v6+s6+$0x0], $0xffff;
	v4 =	vsub.f32 v2, v3;
	v15 =	vsub.f32 v15, v16  }
0xb0: {  	s21 =	simm.s32 $0x0;
	s22 =	sadd.s32 $0x100, s31;
	v10 =	vld.idx.msk [tilespmem:v10+s6+$0x0], $0xffff;
	v16 =	vsub.f32 v17, v18;
	v2 =	vimm.f32 $0.0e+00;
	v3 =	vimm.f32 $0.0e+00  }
.LBB2_4:
0xb1: {  	v17 =	vld [tilespmem:s22+$0xFFFFFFE0];
	v8 =	vsub.f32 v8, v11;
	v5 =	vsub.f32 v5, v7  }
0xb2: {  	v13 =	vsub.f32 v13, v14;
	v7 =	vld [tilespmem:s22+$0x60];
	v11 =	vand.u32 $0x7FFFFFFF, v15;
	v15 =	vand.u32 $0x7FFFFFFF, v16  }
0xb3: {  	v16 =	vld [tilespmem:s22+$0xFFFFFFF0];
	v2 =	vadd.f32 v11, v2;
	v3 =	vadd.f32 v15, v3  }
0xb4: {  	v8 =	vand.u32 $0x7FFFFFFF, v8;
	v11 =	vand.u32 $0x7FFFFFFF, v13;
	v9 =	vsub.f32 v9, v12;
	v18 =	vld [tilespmem:s22+$0x70]  }
0xb5: {  	v12 =	vld [tilespmem:s22+$0xFFFFFFC0];
	v2 =	vadd.f32 v8, v2;
	v3 =	vadd.f32 v11, v3  }
0xb6: {  	v5 =	vand.u32 $0x7FFFFFFF, v5;
	v9 =	vand.u32 $0x7FFFFFFF, v9;
	v6 =	vsub.f32 v6, v10;
	v8 =	vld [tilespmem:s22+$0x40]  }
0xb7: {  	v10 =	vld [tilespmem:s22+$0xFFFFFFD0];
	v2 =	vadd.f32 v5, v2;
	v3 =	vadd.f32 v9, v3  }
0xb8: {  	v4 =	vand.u32 $0x7FFFFFFF, v4;
	v5 =	vand.u32 $0x7FFFFFFF, v6;
	v15 =	vld [tilespmem:s22+$0x50]  }
0xb9: {  	v6 =	vld [tilespmem:s22+$0xFFFFFFA0];
	v2 =	vadd.f32 v4, v2;
	v3 =	vadd.f32 v5, v3  }
0xba: {  	v4 =	vld [tilespmem:s22+$0x20]  }
0xbb: {  	v9 =	vld [tilespmem:s22+$0xFFFFFFB0]  }
0xbc: {  	v14 =	vld [tilespmem:s22+$0x30]  }
0xbd: {  	v13 =	vld [tilespmem:s22+$0xFFFFFF80]  }
0xbe: {  	v19 =	vld [tilespmem:s22+$0x0]  }
0xbf: {  	v20 =	vld [tilespmem:s22+$0xFFFFFF90]  }
0xc0: {  	v21 =	vld [tilespmem:s22+$0x10]  }
0xc1: {  	v17 =	vld.idx.msk [tilespmem:v17+s6+$0x0], $0xffff  }
0xc2: {  	s21 =	sadd.s32 $0x8, s21;
	v22 =	vld.idx.msk [tilespmem:v7+s6+$0x0], $0xffff  }
0xc3: {  	p2 =	slt.u32 s21, $0x188;
	v5 =	vld.idx.msk [tilespmem:v12+s6+$0x0], $0xffff  }
0xc4: {  	v7 =	vld.idx.msk [tilespmem:v8+s6+$0x0], $0xffff  }
0xc5: {  	v8 =	vld.idx.msk [tilespmem:v6+s6+$0x0], $0xffff  }
0xc6: {  	v11 =	vld.idx.msk [tilespmem:v4+s6+$0x0], $0xffff  }
0xc7: {  	v23 =	vld.idx.msk [tilespmem:v13+s6+$0x0], $0xffff  }
0xc8: {  	v19 =	vld.idx.msk [tilespmem:v19+s6+$0x0], $0xffff  }
0xc9: {  	v20 =	vld.idx.msk [tilespmem:v20+s6+$0x0], $0xffff  }
0xca: {  	v21 =	vld.idx.msk [tilespmem:v21+s6+$0x0], $0xffff  }
0xcb: {  	v13 =	vld.idx.msk [tilespmem:v9+s6+$0x0], $0xffff  }
.Ltmp6:
0xcc: {  	v14 =	vld.idx.msk [tilespmem:v14+s6+$0x0], $0xffff;
	(pc) =	sbr.rel @p2 .LBB2_4-.Ltmp6, $4  }
0xcd: {  	v9 =	vld.idx.msk [tilespmem:v10+s6+$0x0], $0xffff  }
0xce: {  	v12 =	vld.idx.msk [tilespmem:v15+s6+$0x0], $0xffff  }
0xcf: {  	v4 =	vsub.f32 v17, v22;
	v6 =	vld.idx.msk [tilespmem:v16+s6+$0x0], $0xffff  }
0xd0: {  	s22 =	sadd.s32 $0x100, s22;
	v15 =	vsub.f32 v23, v19;
	v16 =	vsub.f32 v20, v21;
	v10 =	vld.idx.msk [tilespmem:v18+s6+$0x0], $0xffff  }
0xd1: {  	v8 =	vsub.f32 v8, v11;
	v5 =	vsub.f32 v5, v7  }
0xd2: {  	v13 =	vsub.f32 v13, v14;
	v58 =	vand.u32 $0x7FFFFFFF, v15;
	v59 =	vand.u32 $0x7FFFFFFF, v16  }
0xd3: {  	v2 =	vadd.f32 v58, v2;
	v3 =	vadd.f32 v59, v3  }
0xd4: {  	v60 =	vand.u32 $0x7FFFFFFF, v8;
	v61 =	vand.u32 $0x7FFFFFFF, v13;
	v9 =	vsub.f32 v9, v12  }
0xd5: {  	v2 =	vadd.f32 v60, v2;
	v3 =	vadd.f32 v61, v3  }
0xd6: {  	v5 =	vand.u32 $0x7FFFFFFF, v5;
	v62 =	vand.u32 $0x7FFFFFFF, v9;
	v6 =	vsub.f32 v6, v10  }
0xd7: {  	v2 =	vadd.f32 v5, v2;
	v3 =	vadd.f32 v62, v3  }
0xd8: {  	v4 =	vand.u32 $0x7FFFFFFF, v4;
	v63 =	vand.u32 $0x7FFFFFFF, v6  }
0xd9: {  	s19 =	sadd.s32 s8, s19;
	v2 =	vadd.f32 v4, v2;
	v3 =	vadd.f32 v63, v3  }
0xda: {  	p2 =	slt.u32 s19, s7  }
0xdb: {  	v2 =	vpsel !p2, $0x0, v2;
	v3 =	vpsel !p2, $0x0, v3;
	p2 =	sne.s32 s20, $0x10  }
.Ltmp7:
0xdc: {  	_ = 	snop;
	(pc) =	sbr.rel @p2 .LBB2_3-.Ltmp7, $2  }
0xdd: {  	_ =	sdelay $0x2  }
0xde: {  	p1 =	por !p1, !p1;
	s19 =	smov.u32 s20;
	v1 =	vadd.f32 v2, v1;
	v0 =	vadd.f32 v3, v0  }
.Ltmp8:
0xdf: {  	(pc) =	sbr.rel .LBB2_12-.Ltmp8, $2  }
0xe0: {  	_ =	sdelay $0x2  }
0xe1: {  	v0 =	vadd.f32 v0, v1  }
.LBB2_13:
0xe2: {  	_ =	sfence.sel $0x180000  }
0xe3: {  	[bflag:$0x0] =	sbarrier.arrive $0xFFFF  }
0xe4: {  	p0 =	sne.s32 s0, $0x0;
	_ =	strace $0x90000047  }
0xe5: {  	s0 =	sadd.s32 @!p0 $0x100000, s2;
	[bflag:$0x2] =	sbarrier.arrive $0xFFFF  }
0xe6: {  	[sflag:s0] =	ssyncadd.tile.s32 @!p0 $0x1;
	_ =	shalt  }
.Lfunc_end2:
_tile_overlayer_lowered:
.L_overlay_start_2:
0xe7: {  	(tag) =	ssettag $0x2  }
0xe8: {  	s0 =	rddreg [dreg:$0x0];
	s2 =	stileid.u32  }
0xe9: {  	s1 =	rddreg [dreg:$0x1];
	p0 =	sne.s32 s2, $0x0  }
0xea: {  	s3 =	rddreg [dreg:$0x2];
	[bflag:$0x3] =	sbarrier.arrive $0xFFFF;
	s2 =	simm.s32 @!p0 $0x1C04  }
0xeb: {  	[timem:s3], [sflag:s2] =	dma.local @!p0 [hbm:s0], s1  }
0xec: {  	s0 =	simm.s32 @!p0 $0x4  }
0xed: {  	_ =	swait.ge @!p0 [sflag:s0], s1  }
0xee: {  	s1 =	ssub.s32 @!p0 $0x0, s1;
	[sflag:s0] =	ssyncset.done @!p0 $0x0  }
0xef: {  	[sflag:s0] =	ssyncadd.s32 @!p0 s1  }
0xf0: {  	[bflag:$0x3] =	sbarrier.arrive $0xFFFF  }
0xf1: {  	_ =	shalt  }

</sc_bundles>
